<compile_context>
chip_gen: v7x
topology: tpu7x:2x2x1
jax: 0.10.2.dev20260603
libtpu: 0.0.44.dev20260713+nightly
codegen_flags: <defaults>
</compile_context>

<pallas_src>
import functools

import jax
import jax.numpy as jnp
from jax import lax
from jax.experimental import pallas as pl
from jax.experimental.pallas import tpu as pltpu

_K = 0.5
_INT_MIN = -(2 ** 31)
_POS_MASK = 2 ** 31 - 1


def _keys_from_scores(s):
    b = lax.bitcast_convert_type(s, jnp.int32)
    return jnp.where(b >= 0, b, b ^ _POS_MASK)


def _threshold_kernel(s_ref, t_ref, *, j):
    keys = _keys_from_scores(s_ref[...])

    def body(i, res_u):
        bit = lax.shift_left(jnp.int32(1), jnp.int32(31 - i))
        cand_u = res_u | bit
        cand_key = cand_u ^ _INT_MIN
        cnt = jnp.sum((keys < cand_key).astype(jnp.int32))
        return jnp.where(cnt <= j, cand_u, res_u)

    res_u = lax.fori_loop(0, 32, body, jnp.int32(0))
    t_ref[0, 0] = res_u ^ _INT_MIN


def _apply_kernel(t_ref, s_ref, w_ref, x_ref, o_ref):
    t = t_ref[0, 0]
    keys = _keys_from_scores(s_ref[...])
    mask = keys >= t
    tw = jnp.tanh(w_ref[...])
    o_ref[...] = jnp.where(mask, tw, x_ref[...])


@jax.jit
def kernel(x, scores, weight):
    n = scores.size
    j = int((1.0 - _K) * n)
    batch = x.shape[0]

    s2 = scores.reshape(n // 128, 128)
    t = pl.pallas_call(
        functools.partial(_threshold_kernel, j=j),
        out_shape=jax.ShapeDtypeStruct((1, 1), jnp.int32),
        in_specs=[pl.BlockSpec(s2.shape, lambda: (0, 0))],
        out_specs=pl.BlockSpec(memory_space=pltpu.SMEM),
    )(s2)

    blk = 16384
    grid = (n // blk,)
    xf = x.reshape(batch, n)
    sf = scores.reshape(1, n)
    wf = weight.reshape(1, n)
    out = pl.pallas_call(
        _apply_kernel,
        grid=grid,
        out_shape=jax.ShapeDtypeStruct((batch, n), jnp.float32),
        in_specs=[
            pl.BlockSpec(memory_space=pltpu.SMEM),
            pl.BlockSpec((1, blk), lambda i: (0, i)),
            pl.BlockSpec((1, blk), lambda i: (0, i)),
            pl.BlockSpec((batch, blk), lambda i: (0, i)),
        ],
        out_specs=pl.BlockSpec((batch, blk), lambda i: (0, i)),
        compiler_params=pltpu.CompilerParams(
            dimension_semantics=("arbitrary",),
        ),
    )(t, sf, wf, xf)
    return out.reshape(x.shape)

# --- scband reference (transcript-rebuilt; emitter-appended) ---
"""Pipeline reference for scband-optim-program-90348932039296 (READ-ONLY COPY).

The authoritative reference and input builder live on the scoring server;
editing this copy changes nothing except your own understanding.
"""

import jax, jax.numpy as jnp
import numpy as np

K = 0.5

def get_subnet(scores, k):
    # Faithful port of GetSubnet.forward: sort flattened scores, zero the
    # bottom (1-k) fraction, set the top k fraction to 1.
    flat = scores.flatten()
    idx = jnp.argsort(flat)
    j = int((1 - k) * flat.size)
    flat_out = flat
    flat_out = flat_out.at[idx[:j]].set(0.0)
    flat_out = flat_out.at[idx[j:]].set(1.0)
    return flat_out.reshape(scores.shape)

def setup_inputs(seed: int = 0) -> dict:
    key = jax.random.key(seed)
    k1, k2, k3 = jax.random.split(key, 3)
    x = jax.random.normal(k1, (32, 3, 512, 512), dtype=jnp.float32)
    # learned parameters: scores and program weight, both U(-1, 1) as in torch init
    scores = jax.random.uniform(k2, (3, 512, 512), minval=-1.0, maxval=1.0, dtype=jnp.float32)
    weight = jax.random.uniform(k3, (3, 512, 512), minval=-1.0, maxval=1.0, dtype=jnp.float32)
    return {"x": x, "scores": scores, "weight": weight}

def reference(x, scores, weight):
    adj = get_subnet(scores, K)
    # Program.forward: weight * mask ; OptimProgram.forward composition
    out = x * (1.0 - adj) + jnp.tanh(weight * adj)
    return out

if __name__ == "__main__":
    import jax
    _d = setup_inputs()
    print(jax.jit(kernel)(*tuple(_d.values())))

</pallas_src>

<mosaic_0001>
module attributes {stable_mosaic.version = 14 : i64} {
  func.func @_threshold_kernel(%arg0: memref<6144x128xf32, #tpu.memory_space<vmem>>, %arg1: memref<1x1xi32, #tpu.memory_space<smem>>) attributes {dimension_semantics = [], scalar_prefetch = 0 : i64, scratch_operands = 0 : i64, tpu.core_type = #tpu.core_type<tc>} {
    %get3A = arith.constant 0 : index
    %get3A_0 = arith.constant 0 : index
    %get3A_1 = vector.load %arg0[%get3A, %get3A_0] : memref<6144x128xf32, #tpu.memory_space<vmem>>, vector<6144x128xf32>
    %bitcast_convert_type3A = tpu.bitcast %get3A_1 : vector<6144x128xf32> -> vector<6144x128xi32>
    %ge3A = arith.constant 0 : i32
    %ge3A_2 = vector.broadcast %ge3A : i32 to vector<6144x128xi32>
    %ge3A_3 = arith.cmpi sge, %bitcast_convert_type3A, %ge3A_2 : vector<6144x128xi32>
    %xor3A = arith.constant 2147483647 : i32
    %xor3A_4 = vector.broadcast %xor3A : i32 to vector<6144x128xi32>
    %xor3A_5 = arith.xori %bitcast_convert_type3A, %xor3A_4 : vector<6144x128xi32>
    %select_n3A = arith.select %ge3A_3, %bitcast_convert_type3A, %xor3A_5 : vector<6144x128xi1>, vector<6144x128xi32>
    %scan3A = arith.constant 0 : i32
    %scan3A_6 = arith.constant 0 : i32
    %scan3A_7 = arith.constant 32 : i32
    %scan3A_8 = arith.addi %scan3A_6, %scan3A_7 : i32
    %scan3A_9 = arith.constant 1 : i32
    %scan3A_10 = scf.for %scan3A_16 = %scan3A_6 to %scan3A_8 step %scan3A_9 iter_args(%scan3A_17 = %scan3A) -> (i32)  : i32 {
      %sub3A = arith.constant 31 : i32
      %sub3A_18 = arith.subi %sub3A, %scan3A_16 : i32
      %shift_left3A = arith.constant 1 : i32
      %shift_left3A_19 = arith.shli %shift_left3A, %sub3A_18 : i32
      %or3A = arith.ori %scan3A_17, %shift_left3A_19 : i32
      %xor3A_20 = arith.constant -2147483648 : i32
      %xor3A_21 = arith.xori %or3A, %xor3A_20 : i32
      %lt3A = vector.broadcast %xor3A_21 : i32 to vector<6144x128xi32>
      %lt3A_22 = arith.cmpi slt, %select_n3A, %lt3A : vector<6144x128xi32>
      %convert_element_type3A = arith.extui %lt3A_22 : vector<6144x128xi1> to vector<6144x128xi32>
      %reduce_sum3A = vector.shape_cast %convert_element_type3A : vector<6144x128xi32> to vector<1x6144x128xi32>
      %reduce_sum3A_23 = arith.constant dense<0> : vector<1xi32>
      %reduce_sum3A_24 = vector.multi_reduction <add>, %reduce_sum3A, %reduce_sum3A_23 [1, 2] : vector<1x6144x128xi32> to vector<1xi32>
      %reduce_sum3A_25 = vector.shape_cast %reduce_sum3A_24 : vector<1xi32> to vector<1x1x1xi32>
      %reduce_sum3A_26 = vector.extract %reduce_sum3A_25[0, 0, 0] : i32 from vector<1x1x1xi32>
      %le3A = arith.constant 393216 : i32
      %le3A_27 = arith.cmpi sle, %reduce_sum3A_26, %le3A : i32
      %select_n3A_28 = arith.select %le3A_27, %or3A, %scan3A_17 : i32
      scf.yield %select_n3A_28 : i32
    }
    %scan3A_11 = arith.constant 32 : i32
    %xor3A_12 = arith.constant -2147483648 : i32
    %xor3A_13 = arith.xori %scan3A_10, %xor3A_12 : i32
    %swap3A = arith.constant 0 : index
    %swap3A_14 = arith.constant 0 : index
    %swap3A_15 = memref.load %arg1[%swap3A, %swap3A_14] : memref<1x1xi32, #tpu.memory_space<smem>>
    memref.store %xor3A_13, %arg1[%swap3A, %swap3A_14] : memref<1x1xi32, #tpu.memory_space<smem>>
    return
  }
}

module attributes {stable_mosaic.version = 14 : i64} {
  func.func @_apply_kernel(%arg0: i32, %arg1: memref<1x1xi32, #tpu.memory_space<smem>>, %arg2: memref<1x16384xf32, #tpu.memory_space<vmem>>, %arg3: memref<1x16384xf32, #tpu.memory_space<vmem>>, %arg4: memref<32x16384xf32, #tpu.memory_space<vmem>>, %arg5: memref<32x16384xf32, #tpu.memory_space<vmem>>) attributes {dimension_semantics = [#tpu.dimension_semantics<arbitrary>], iteration_bounds = array<i64: 48>, scalar_prefetch = 0 : i64, scratch_operands = 0 : i64, tpu.core_type = #tpu.core_type<tc>, window_params = [{transform_indices = @transform_0, window_bounds = array<i64: 1, 1>}, {transform_indices = @transform_1, window_bounds = array<i64: 1, 16384>}, {transform_indices = @transform_2, window_bounds = array<i64: 1, 16384>}, {transform_indices = @transform_3, window_bounds = array<i64: 32, 16384>}, {transform_indices = @transform_4, window_bounds = array<i64: 32, 16384>}]} {
    %get3A = arith.constant 0 : index
    %get3A_0 = arith.constant 0 : index
    %get3A_1 = memref.load %arg1[%get3A, %get3A_0] : memref<1x1xi32, #tpu.memory_space<smem>>
    %get3A_2 = arith.constant 0 : index
    %get3A_3 = arith.constant 0 : index
    %get3A_4 = vector.load %arg2[%get3A_2, %get3A_3] : memref<1x16384xf32, #tpu.memory_space<vmem>>, vector<1x16384xf32>
    %bitcast_convert_type3A = tpu.bitcast %get3A_4 : vector<1x16384xf32> -> vector<1x16384xi32>
    %ge3A = arith.constant 0 : i32
    %ge3A_5 = vector.broadcast %ge3A : i32 to vector<1x16384xi32>
    %ge3A_6 = arith.cmpi sge, %bitcast_convert_type3A, %ge3A_5 : vector<1x16384xi32>
    %xor3A = arith.constant 2147483647 : i32
    %xor3A_7 = vector.broadcast %xor3A : i32 to vector<1x16384xi32>
    %xor3A_8 = arith.xori %bitcast_convert_type3A, %xor3A_7 : vector<1x16384xi32>
    %select_n3A = arith.select %ge3A_6, %bitcast_convert_type3A, %xor3A_8 : vector<1x16384xi1>, vector<1x16384xi32>
    %ge3A_9 = vector.broadcast %get3A_1 : i32 to vector<1x16384xi32>
    %ge3A_10 = arith.cmpi sge, %select_n3A, %ge3A_9 : vector<1x16384xi32>
    %get3A_11 = arith.constant 0 : index
    %get3A_12 = arith.constant 0 : index
    %get3A_13 = vector.load %arg3[%get3A_11, %get3A_12] : memref<1x16384xf32, #tpu.memory_space<vmem>>, vector<1x16384xf32>
    %tanh3A = math.tanh %get3A_13 : vector<1x16384xf32>
    %get3A_14 = arith.constant 0 : index
    %get3A_15 = arith.constant 0 : index
    %get3A_16 = vector.load %arg4[%get3A_14, %get3A_15] : memref<32x16384xf32, #tpu.memory_space<vmem>>, vector<32x16384xf32>
    %broadcast_in_dim3A = vector.shape_cast %ge3A_10 : vector<1x16384xi1> to vector<1x16384xi1>
    %broadcast_in_dim3A_17 = vector.broadcast %broadcast_in_dim3A : vector<1x16384xi1> to vector<32x16384xi1>
    %broadcast_in_dim3A_18 = vector.shape_cast %tanh3A : vector<1x16384xf32> to vector<1x16384xf32>
    %broadcast_in_dim3A_19 = vector.broadcast %broadcast_in_dim3A_18 : vector<1x16384xf32> to vector<32x16384xf32>
    %select_n3A_20 = arith.select %broadcast_in_dim3A_17, %broadcast_in_dim3A_19, %get3A_16 : vector<32x16384xi1>, vector<32x16384xf32>
    %swap3A = arith.constant 0 : index
    %swap3A_21 = arith.constant 0 : index
    %swap3A_22 = vector.load %arg5[%swap3A, %swap3A_21] : memref<32x16384xf32, #tpu.memory_space<vmem>>, vector<32x16384xf32>
    tpu.vector_store %arg5[%swap3A, %swap3A_21], %select_n3A_20 {strides = array<i32>} : memref<32x16384xf32, #tpu.memory_space<vmem>>, vector<32x16384xf32>,
    return
  }
  func.func @transform_0(%arg0: i32) -> (i32, i32) {
    %c0_i32 = arith.constant 0 : i32
    %c0_i32_0 = arith.constant 0 : i32
    %c0_i32_1 = arith.constant 0 : i32
    return %c0_i32, %c0_i32_0 : i32, i32
  }
  func.func @transform_1(%arg0: i32) -> (i32, i32) {
    %c0_i32 = arith.constant 0 : i32
    %c0_i32_0 = arith.constant 0 : i32
    return %c0_i32, %arg0 : i32, i32
  }
  func.func @transform_2(%arg0: i32) -> (i32, i32) {
    %c0_i32 = arith.constant 0 : i32
    %c0_i32_0 = arith.constant 0 : i32
    return %c0_i32, %arg0 : i32, i32
  }
  func.func @transform_3(%arg0: i32) -> (i32, i32) {
    %c0_i32 = arith.constant 0 : i32
    %c0_i32_0 = arith.constant 0 : i32
    return %c0_i32, %arg0 : i32, i32
  }
  func.func @transform_4(%arg0: i32) -> (i32, i32) {
    %c0_i32 = arith.constant 0 : i32
    %c0_i32_0 = arith.constant 0 : i32
    return %c0_i32, %arg0 : i32, i32
  }
}

</mosaic_0001>

<sc_bundles>
// kernel: sparse-core-data-format-call.1.cloned.1.call-start
scs
called_computation.1_lowered:
.L_overlay_start_0:
0x0: {  	s2 =	sld [smem:$0x3FD9]  }
0x1: {  	s3 =	sld [smem:$0x3FFE];
	_ =	sdelay $0x1  }
0x2: {  	s1 =	srdreg.scid  }
0x3: {  	s0 =	sand.u32 $0x1, s1  }
0x4: {  	s19 =	sshll.u32 s0, $0xA;
	s2 =	sadd.s32 s3, s2  }
0x5: {  	s2 =	sadd.s32 s2, s19  }
0x6: {  	[smem:$0x3FC5] =	sst s2  }
0x7: {  	_ = 	snop  }
0x8: {  	s2 =	sld [smem:$0x3FC9]  }
0x9: {  	s20 =	sld [smem:$0x3FD0];
	(tm) =	ssettm $0x1  }
0xa: {  	s4 =	sld [smem:$0x3FFB];
	_ =	sdelay $0x3  }
0xb: {  	_ =	strace s4  }
0xc: {  	s4 =	sld [smem:$0x3FFC];
	_ =	sdelay $0x3  }
0xd: {  	_ =	strace s4  }
0xe: {  	s4 =	sld [smem:$0x3FFD];
	_ =	sdelay $0x3  }
0xf: {  	_ =	strace s4  }
0x10: {  	_ =	strace $0x8FFFFFFF  }
0x11: {  	s21 =	sld [smem:$0x3FDB];
	_ =	sdelay $0x1  }
0x12: {  	s5 =	simm.s32 $_scs_section_size  }
0x13: {  	s6 =	simm.s32 $_size__tile_overlayer_lowered;
	s7 =	simm.s32 $_tile_overlayer_lowered  }
0x14: {  	s24 =	simm.s32 $0x1BFF;
	s23 =	sshll.u32 s7, $0x1;
	s4 =	sadd.s32 s5, s21  }
0x15: {  	s8 =	simm.s32 $0x0;
	s22 =	sshll.u32 s6, $0x1;
	s6 =	sadd.s32 s23, s4  }
0x16: {  	[timem:s8], [sflag:s24] =	dma.local [hbm:s6], s22  }
0x17: {  	_ =	swait.ge [sflag:s24], s22  }
0x18: {  	s5 =	ssub.s32 $0x0, s22;
	[sflag:s24] =	ssyncset.done $0x0  }
0x19: {  	[sflag:s24] =	ssyncadd.s32 s5;
	_ =	sdelay $0x1  }
0x1a: {  	s25 =	simm.s32 $0x1B8B  }
0x1b: {  	_ =	swait.ge [sflag:s25], $0x1  }
0x1c: {  	[sflag:s25] =	ssyncset.done $0x0  }
0x1d: {  	s26 =	simm.s32 $0x1B8E;
	[sflag:s25] =	ssyncadd.s32 $0xFFFFFFFF  }
0x1e: {  	s27 =	simm.s32 $execute0_lowered;
	[smem:$0x3FD2] =	sst s26  }
0x1f: {  	s5 =	sshll.u32 s27, $0x1;
	_ =	strace $0x80000046;
	[dreg:$0x1] =	wrdreg $0xFFFFFFFF  }
0x20: {  	s28 =	simm.s32 $_size_execute0_lowered;
	s4 =	sadd.s32 s4, s5;
	[dreg:$0x0] =	wrdreg $0x0  }
0x21: {  	s5 =	sshll.u32 s28, $0x1;
	[dreg:$0x2] =	wrdreg s4  }
0x22: {  	[dreg:$0x3] =	wrdreg s5  }
0x23: {  	[dreg:$0x4] =	wrdreg $0xC0  }
0x24: {  	_ =	task [dreg:s8], $0x5FFFF  }
0x25: {  	[dreg:$0x1] =	wrdreg $0xFFFFFFFF  }
0x26: {  	[dreg:$0x0] =	wrdreg $0x60  }
0x27: {  	[dreg:$0x2] =	wrdreg s2  }
0x28: {  	[dreg:$0x3] =	wrdreg s20  }
0x29: {  	[dreg:$0x4] =	wrdreg $0x9  }
0x2a: {  	_ =	task.clear_ibuf [dreg:s8], $0x5FFFF;
	_ =	strace $0x90000046  }
0x2b: {  	s29 =	simm.s32 $0x9;
	_ =	strace $0x80000048  }
0x2c: {  	_ =	swait.ge [sflag:s29], $0x1  }
0x2d: {  	[sflag:s29] =	ssyncadd.s32 $0xFFFFFFFF  }
0x2e: {  	_ =	strace $0x90000048  }
0x2f: {  	_ =	sfence  }
0x30: {  	s30 =	sld [smem:$0x0];
	_ =	sdelay $0x2  }
0x31: {  	s31 =	sshll.u32 s1, $0xD;
	s1 =	sshrl.u32 s1, $0x2  }
0x32: {  	s3 =	sand.u32 $0x4000, s31;
	s1 =	sadd.s32 s1, s30  }
0x33: {  	s0 =	sor.u32 s3, s0;
	s1 =	sshll.u32 s1, $0x11  }
0x34: {  	s0 =	sor.u32 s1, s0  }
0x35: {  	s0 =	sadd.s32 $0x8F2B, s0  }
0x36: {  	[sflag:s0] =	ssyncadd.remote.s32 $0x1  }
0x37: {  	_ =	sfence.sel $0xFFFF  }
0x38: {  	[dreg:$0x0] =	wrdreg $0xFFFFFFFF;
	(pc) =	sbr.abs _section_cstart, $3  }
0x39: {  	[dreg:$0x1] =	wrdreg $0xFFFFFFFF  }
0x3a: {  	_ =	task.clear_ibuf [dreg:s8], $0x2FFFF;
	_ =	strace $0x9FFFFFFF  }
0x3b: {  	(tm) =	ssettm $0x7FFFFFFF  }
tec
execute0_lowered:
.L_overlay_start_1:
0x0: {  	(tag) =	ssettag $0x1  }
0x1: {  	s2 =	rddreg [dreg:$0x0]  }
0x2: {  	s3 =	rddreg [dreg:$0x1]  }
0x3: {  	s0 =	rddreg [dreg:$0x2]  }
0x4: {  	s1 =	srdreg.scid;
	_ =	strace $0x80000047;
	s7 =	simm.s32 $0x2  }
0x5: {  	s13 =	simm.s32 $0x0;
	p0 =	por $0x0, $0x0;
	s14 =	simm.s32 $0x0  }
0x6: {  	s16 =	simm.s32 $0x0;
	s15 =	simm.s32 $0x0;
	s9 =	simm.s32 $0x0  }
.Ltmp0:
0x7: {  	s10 =	simm.s32 $0x0;
	s4 =	sshll.u32 s1, $0x4;
	(pc) =	sbr.rel .LBB1_1-.Ltmp0, $4  }
0x8: {  	s1 =	stileid.u32;
	s5 =	sand.u32 $0x10, s4;
	s4 =	simm.s32 $0x1  }
0x9: {  	s8 =	simm.s32 $0x0;
	s6 =	sor.u32 s1, s5;
	[sflag:s4] =	ssyncpa.u1 $0x0  }
0xa: {  	s5 =	sand.u32 $0x3, s1;
	s6 =	sshrl.u32 s6, $0x2;
	[sflag:s7] =	ssyncpa.u1 $0x0  }
0xb: {  	s7 =	simm.s32 $0x1000;
	s12 =	smov.u32 s5;
	s11 =	smov.u32 s6  }
.LBB1_5:
0xc: {  	s17 =	sadd.s32 $0x80, s9  }
0xd: {  	s13 =	sadd.s32 $0x80, s10;
	s18 =	smov.u32 s10;
	p2 =	sgt.s32 s17, $0x1FF  }
0xe: {  	s18 =	smov.u32 @p2 s13  }
0xf: {  	s19 =	smov.u32 s11;
	s13 =	sadd.s32 $0x8, s11;
	p3 =	sgt.s32 s18, $0x5FF  }
0x10: {  	s19 =	smov.u32 @p3 s13  }
0x11: {  	s20 =	smov.u32 s12;
	s13 =	sadd.s32 $0x4, s12;
	p4 =	sgt.s32 s19, $0x7  }
0x12: {  	p1 =	slt.u32 s8, $0x2;
	s20 =	smov.u32 @p4 s13  }
0x13: {  	s8 =	sadd.s32 $0x1, s8;
	s17 =	simm.s32 @p2 $0x0;
	p2 =	sgt.s32 s20, $0x3  }
0x14: {  	s21 =	simm.s32 @!p1 $0x2;
	s20 =	smov.u32 @p2 s5;
	p2 =	sne.s32 s8, $0x32  }
.Ltmp1:
0x15: {  	s14 =	smov.u32 s10;
	_ =	swait.ge @!p1 [sflag:s21], $0x4000;
	(pc) =	sbr.rel @!p2 .LBB1_6-.Ltmp1, $4  }
0x16: {  	s16 =	smov.u32 s11;
	s15 =	smov.u32 s12;
	[sflag:s21] =	ssyncset.done @!p1 $0x0  }
0x17: {  	p0 =	por !p0, !p0;
	s18 =	simm.s32 @p3 $0x0;
	[sflag:s21] =	ssyncadd.s32 @!p1 $0xFFFFC000  }
0x18: {  	s10 =	smov.u32 s18;
	s19 =	smov.u32 @p4 s6;
	s13 =	smov.u32 s9  }
0x19: {  	s9 =	smov.u32 s17;
	s11 =	smov.u32 s19;
	s12 =	smov.u32 s20  }
.LBB1_1:
0x1a: {  	p1 =	sgt.u32 s8, $0x2F  }
0x1b: {  	s17 =	sshll.u32 @!p1 s10, $0x9;
	s18 =	sshll.u32 @!p1 s9, $0x3  }
0x1c: {  	s19 =	sshll.u32 @!p1 s10, $0x7;
	s17 =	sand.u32 @!p1 $0xFFFFF000, s17;
	s18 =	sand.u32 @!p1 $0xFFFFFC00, s18  }
0x1d: {  	s17 =	sadd.s32 @!p1 s17, s18;
	s18 =	sand.u32 @!p1 $0x200, s19  }
0x1e: {  	s17 =	sor.u32 @!p1 s18, s17  }
0x1f: {  	s17 =	sshrl.u32 @!p1 s17, $0x9  }
0x20: {  	s18 =	smulhi.u32 @!p1 $0x2AAAAB, s17  }
0x21: {  	s20 =	sxor.u32 @!p1 $0xFFFFFFFF, s8;
	s22 =	smul.u32 @!p1 $0xC0000, s12  }
0x22: {  	s21 =	sand.u32 @!p1 $0x78, s9;
	s19 =	sand.u32 @!p1 $0x180, s19;
	s18 =	smul.u32 @!p1 $0x600, s18  }
0x23: {  	s20 =	sshll.u32 @!p1 s20, $0xE;
	s19 =	sor.u32 @!p1 s21, s19;
	s21 =	smul.u32 @!p1 $0x18000, s11  }
0x24: {  	s17 =	ssub.s32 @!p1 s17, s18;
	s18 =	sand.u32 @!p1 $0x4000, s20;
	s20 =	sadd.s32 @!p1 s2, s22  }
0x25: {  	s19 =	sshrl.u32 @!p1 s19, $0x3;
	s20 =	sadd.s32 @!p1 s21, s20;
	s21 =	sand.u32 @!p1 $0x7, s9  }
0x26: {  	s17 =	sshll.u32 @!p1 s17, $0x6;
	s19 =	sadd.s32 @!p1 s19, s20;
	s20 =	sshll.u32 @!p1 s21, $0x12  }
0x27: {  	s17 =	sadd.s32 @!p1 s17, s19;
	s19 =	sor.u32 @!p1 $0x400, s20;
	s20 =	simm.s32 @!p1 $0x1000  }
0x28: {  	[tilespmem:s18], [sflag:$0x1] =	stream.strided.gather @!p1 [hbm4b:s17+s19], $0x4000, s20, s19, $0x38;
	[tilespmem:$0x10000] =	vst v63  }
0x29: {  	p1 =	seq.s32 s8, $0x0  }
0x2a: {  	p2 =	seq.s32 @!p1 s8, $0x31  }
0x2b: {  	p1 =	por p1, p2  }
.Ltmp2:
0x2c: {  	_ = 	snop;
	(pc) =	sbr.rel @p1 .LBB1_5-.Ltmp2, $1  }
0x2d: {  	_ =	sdelay $0x3  }
0x2e: {  	s17 =	simm.s32 $0x1  }
0x2f: {  	s17 =	simm.s32 @!p0 $0x0  }
0x30: {  	s17 =	sshll.u32 s17, $0xE  }
0x31: {  	s18 =	sor.u32 $0x40, s17  }
0x32: {  	v1 =	vmov s18;
	_ =	sdelay $0x1  }
0x33: {  	_ =	swait.ge [sflag:s4], $0x4000  }
0x34: {  	[sflag:s4] =	ssyncset.done $0x0  }
0x35: {  	s19 =	simm.s32 $0x0;
	[sflag:s4] =	ssyncadd.s32 $0xFFFFC000  }
0x36: {  	s17 =	sor.u32 $0x8070, s17;
	v7 =	vld.idx.msk [tilespmem:v1+s19+$0x30 ss:$0x1], $0xffff  }
0x37: {  	v0 =	vmov s17;
	v8 =	vld.idx.msk [tilespmem:v1+s19+$0xFFFFFFC0 ss:$0x1], $0xffff  }
0x38: {  	v6 =	vld.idx.msk [tilespmem:v1+s19+$0xFFFFFFD0 ss:$0x1], $0xffff  }
0x39: {  	v4 =	vld.idx.msk [tilespmem:v1+s19+$0xFFFFFFE0 ss:$0x1], $0xffff  }
0x3a: {  	v2 =	vld.idx.msk [tilespmem:v1+s19+$0xFFFFFFF0 ss:$0x1], $0xffff  }
0x3b: {  	s31 =	sshll.u32 s8, $0xE;
	v3 =	vld.idx.msk [tilespmem:v1+s19+$0x0 ss:$0x1], $0xffff  }
0x3c: {  	s17 =	sand.u32 $0x4000, s31;
	v5 =	vld.idx.msk [tilespmem:v1+s19+$0x10 ss:$0x1], $0xffff;
	[tilespmem:v0+s19+$0x0 ss:$0x1] =	vst.idx.msk $0xffff, v7  }
0x3d: {  	s20 =	simm.s32 $0x400;
	s18 =	simm.s32 $0x80;
	s17 =	sor.u32 $0x8000, s17;
	[tilespmem:v0+s19+$0xFFFFFF90 ss:$0x1] =	vst.idx.msk $0xffff, v8;
	v7 =	vld.idx.msk [tilespmem:v1+s19+$0x20 ss:$0x1], $0xffff  }
.LBB1_3:
0x3e: {  	p1 =	sne.s32 s20, $0xFE00;
	v8 =	vld.idx.msk [tilespmem:v1+s18+$0x30 ss:$0x1], $0xffff;
	[tilespmem:v0+s19+$0xFFFFFFA0 ss:$0x1] =	vst.idx.msk $0xffff, v6  }
0x3f: {  	v9 =	vld.idx.msk [tilespmem:v1+s18+$0xFFFFFFC0 ss:$0x1], $0xffff;
	[tilespmem:v0+s19+$0xFFFFFFB0 ss:$0x1] =	vst.idx.msk $0xffff, v4  }
0x40: {  	v6 =	vld.idx.msk [tilespmem:v1+s18+$0xFFFFFFD0 ss:$0x1], $0xffff;
	[tilespmem:v0+s19+$0xFFFFFFC0 ss:$0x1] =	vst.idx.msk $0xffff, v2  }
.Ltmp3:
0x41: {  	v4 =	vld.idx.msk [tilespmem:v1+s18+$0xFFFFFFE0 ss:$0x1], $0xffff;
	[tilespmem:v0+s19+$0xFFFFFFD0 ss:$0x1] =	vst.idx.msk $0xffff, v3;
	(pc) =	sbr.rel @p1 .LBB1_3-.Ltmp3, $4  }
0x42: {  	v2 =	vld.idx.msk [tilespmem:v1+s18+$0xFFFFFFF0 ss:$0x1], $0xffff;
	[tilespmem:v0+s19+$0xFFFFFFE0 ss:$0x1] =	vst.idx.msk $0xffff, v5  }
0x43: {  	v3 =	vld.idx.msk [tilespmem:v1+s18+$0x0 ss:$0x1], $0xffff;
	[tilespmem:v0+s19+$0xFFFFFFF0 ss:$0x1] =	vst.idx.msk $0xffff, v7;
	s19 =	smov.u32 s18  }
0x44: {  	v5 =	vld.idx.msk [tilespmem:v1+s19+$0x10 ss:$0x1], $0xffff;
	[tilespmem:v0+s19+$0x0 ss:$0x1] =	vst.idx.msk $0xffff, v8  }
0x45: {  	s18 =	sshra.s32 s20, $0x2;
	s20 =	sadd.s32 $0x200, s20;
	[tilespmem:v0+s19+$0xFFFFFF90 ss:$0x1] =	vst.idx.msk $0xffff, v9;
	v7 =	vld.idx.msk [tilespmem:v1+s19+$0x20 ss:$0x1], $0xffff  }
0x46: {  	_ =	sdelay $0x3  }
0x47: {  	[tilespmem:v0+s19+$0xFFFFFFA0 ss:$0x1] =	vst.idx.msk $0xffff, v6  }
0x48: {  	v56 =	vld.idx.msk [tilespmem:v1+s18+$0x30 ss:$0x1], $0xffff;
	[tilespmem:v0+s19+$0xFFFFFFB0 ss:$0x1] =	vst.idx.msk $0xffff, v4  }
0x49: {  	v57 =	vld.idx.msk [tilespmem:v1+s18+$0xFFFFFFC0 ss:$0x1], $0xffff;
	[tilespmem:v0+s19+$0xFFFFFFC0 ss:$0x1] =	vst.idx.msk $0xffff, v2  }
0x4a: {  	v58 =	vld.idx.msk [tilespmem:v1+s18+$0xFFFFFFD0 ss:$0x1], $0xffff;
	[tilespmem:v0+s19+$0xFFFFFFD0 ss:$0x1] =	vst.idx.msk $0xffff, v3  }
0x4b: {  	v59 =	vld.idx.msk [tilespmem:v1+s18+$0xFFFFFFE0 ss:$0x1], $0xffff;
	[tilespmem:v0+s19+$0xFFFFFFE0 ss:$0x1] =	vst.idx.msk $0xffff, v5  }
0x4c: {  	v60 =	vld.idx.msk [tilespmem:v1+s18+$0xFFFFFFF0 ss:$0x1], $0xffff;
	[tilespmem:v0+s19+$0xFFFFFFF0 ss:$0x1] =	vst.idx.msk $0xffff, v7  }
0x4d: {  	v61 =	vld.idx.msk [tilespmem:v1+s18+$0x0 ss:$0x1], $0xffff;
	[tilespmem:v0+s18+$0x0 ss:$0x1] =	vst.idx.msk $0xffff, v56  }
0x4e: {  	v62 =	vld.idx.msk [tilespmem:v1+s18+$0x10 ss:$0x1], $0xffff;
	[tilespmem:v0+s18+$0xFFFFFF90 ss:$0x1] =	vst.idx.msk $0xffff, v57  }
0x4f: {  	v63 =	vld.idx.msk [tilespmem:v1+s18+$0x20 ss:$0x1], $0xffff;
	s29 =	sand.u32 $0x78, s13;
	s16 =	sshll.u32 s16, $0x7;
	s20 =	sshll.u32 s13, $0x3;
	[tilespmem:v0+s18+$0xFFFFFFA0 ss:$0x1] =	vst.idx.msk $0xffff, v58  }
0x50: {  	s15 =	smul.u32 $0xC0000, s15;
	s14 =	sshll.u32 s14, $0x9;
	s16 =	sand.u32 $0x380, s16;
	[tilespmem:v0+s18+$0xFFFFFFB0 ss:$0x1] =	vst.idx.msk $0xffff, v59  }
.Ltmp4:
0x51: {  	s30 =	sand.u32 $0xC00, s20;
	s16 =	sor.u32 s29, s16;
	[tilespmem:v0+s18+$0xFFFFFFC0 ss:$0x1] =	vst.idx.msk $0xffff, v60;
	(pc) =	sbr.rel .LBB1_5-.Ltmp4, $4  }
0x52: {  	s31 =	sand.u32 $0x7, s13;
	s15 =	sadd.s32 s3, s15;
	s16 =	sor.u32 s30, s16;
	[tilespmem:v0+s18+$0xFFFFFFD0 ss:$0x1] =	vst.idx.msk $0xffff, v61  }
0x53: {  	s13 =	sshll.u32 s31, $0x12;
	s14 =	sadd.s32 s14, s15;
	s16 =	sshrl.u32 s16, $0x3;
	[tilespmem:v0+s18+$0xFFFFFFE0 ss:$0x1] =	vst.idx.msk $0xffff, v62  }
0x54: {  	s13 =	sor.u32 $0x80, s13;
	[tilespmem:v0+s18+$0xFFFFFFF0 ss:$0x1] =	vst.idx.msk $0xffff, v63;
	s14 =	sadd.s32 s16, s14  }
0x55: {  	[hbm4b:s14+s13] =	stream.strided.scatter [tilespmem:s17], [sflag:$0x2], $0x4000, s7, s13, $0x38;
	[tilespmem:$0x10000] =	vst v63  }
.LBB1_6:
0x56: {  	_ =	sfence.sel $0x180000  }
0x57: {  	s2 =	simm.s32 $0x1;
	[bflag:$0x0] =	sbarrier.arrive $0xFFFF  }
0x58: {  	s31 =	simm.s32 $0x2;
	[sflag:s2] =	ssyncpa.u1 $0x1  }
0x59: {  	[sflag:s31] =	ssyncpa.u1 $0x1  }
0x5a: {  	p0 =	sne.s32 s1, $0x0;
	_ =	strace $0x90000047  }
0x5b: {  	s0 =	sadd.s32 @!p0 $0x100000, s0;
	[bflag:$0x2] =	sbarrier.arrive $0xFFFF  }
0x5c: {  	[sflag:s0] =	ssyncadd.tile.s32 @!p0 $0x1;
	_ =	shalt  }
.Lfunc_end1:
_tile_overlayer_lowered:
.L_overlay_start_2:
0x5d: {  	(tag) =	ssettag $0x2  }
0x5e: {  	s0 =	rddreg [dreg:$0x0];
	s2 =	stileid.u32  }
0x5f: {  	s1 =	rddreg [dreg:$0x1];
	p0 =	sne.s32 s2, $0x0  }
0x60: {  	s3 =	rddreg [dreg:$0x2];
	[bflag:$0x3] =	sbarrier.arrive $0xFFFF;
	s2 =	simm.s32 @!p0 $0x1C01  }
0x61: {  	[timem:s3], [sflag:s2] =	dma.local @!p0 [hbm:s0], s1  }
0x62: {  	s0 =	simm.s32 @!p0 $0x1  }
0x63: {  	_ =	swait.ge @!p0 [sflag:s0], s1  }
0x64: {  	s1 =	ssub.s32 @!p0 $0x0, s1;
	[sflag:s0] =	ssyncset.done @!p0 $0x0  }
0x65: {  	[sflag:s0] =	ssyncadd.s32 @!p0 s1  }
0x66: {  	[bflag:$0x3] =	sbarrier.arrive $0xFFFF  }
0x67: {  	_ =	shalt  }

// kernel: sparse-core-data-format-call.cloned.1.call-start
scs
called_computation_lowered:
.L_overlay_start_0:
0x0: {  	s2 =	sld [smem:$0x3FD9]  }
0x1: {  	s3 =	sld [smem:$0x3FFE];
	_ =	sdelay $0x1  }
0x2: {  	s1 =	srdreg.scid  }
0x3: {  	s0 =	sand.u32 $0x1, s1  }
0x4: {  	s18 =	sshll.u32 s0, $0xA;
	s2 =	sadd.s32 s3, s2  }
0x5: {  	s2 =	sadd.s32 s2, s18  }
0x6: {  	[smem:$0x3FC5] =	sst s2  }
0x7: {  	_ = 	snop  }
0x8: {  	s2 =	sld [smem:$0x3FD0];
	(tm) =	ssettm $0x1  }
0x9: {  	s19 =	sld [smem:$0x3FFB];
	_ =	sdelay $0x3  }
0xa: {  	_ =	strace s19  }
0xb: {  	s3 =	sld [smem:$0x3FFC];
	_ =	sdelay $0x3  }
0xc: {  	_ =	strace s3  }
0xd: {  	s3 =	sld [smem:$0x3FFD];
	_ =	sdelay $0x3  }
0xe: {  	_ =	strace s3  }
0xf: {  	_ =	strace $0x8FFFFFFF  }
0x10: {  	s20 =	sld [smem:$0x3FDB];
	_ =	sdelay $0x1  }
0x11: {  	s4 =	simm.s32 $_scs_section_size  }
0x12: {  	s5 =	simm.s32 $_size__tile_overlayer_lowered;
	s6 =	simm.s32 $_tile_overlayer_lowered  }
0x13: {  	s23 =	simm.s32 $0x1BFF;
	s22 =	sshll.u32 s6, $0x1;
	s3 =	sadd.s32 s4, s20  }
0x14: {  	s7 =	simm.s32 $0x0;
	s21 =	sshll.u32 s5, $0x1;
	s5 =	sadd.s32 s22, s3  }
0x15: {  	[timem:s7], [sflag:s23] =	dma.local [hbm:s5], s21  }
0x16: {  	_ =	swait.ge [sflag:s23], s21  }
0x17: {  	s4 =	ssub.s32 $0x0, s21;
	[sflag:s23] =	ssyncset.done $0x0  }
0x18: {  	[sflag:s23] =	ssyncadd.s32 s4;
	_ =	sdelay $0x1  }
0x19: {  	s24 =	simm.s32 $0x1B8B  }
0x1a: {  	_ =	swait.ge [sflag:s24], $0x1  }
0x1b: {  	[sflag:s24] =	ssyncset.done $0x0  }
0x1c: {  	s26 =	simm.s32 $0x1B8E;
	s25 =	sld [smem:$0x3FFE];
	[sflag:s24] =	ssyncadd.s32 $0xFFFFFFFF  }
0x1d: {  	s27 =	simm.s32 $execute0_lowered;
	[smem:$0x3FD2] =	sst s26  }
0x1e: {  	s5 =	sshll.u32 s27, $0x1;
	_ =	strace $0x80000049;
	[dreg:$0x1] =	wrdreg $0xFFFFFFFF  }
0x1f: {  	s28 =	simm.s32 $_size_execute0_lowered;
	s3 =	sadd.s32 s3, s5;
	[dreg:$0x0] =	wrdreg $0x0  }
0x20: {  	s5 =	sshll.u32 s28, $0x1;
	[dreg:$0x2] =	wrdreg s3  }
0x21: {  	[dreg:$0x3] =	wrdreg s5  }
0x22: {  	[dreg:$0x4] =	wrdreg $0xC0  }
0x23: {  	_ =	task [dreg:s7], $0x5FFFF  }
0x24: {  	[dreg:$0x1] =	wrdreg $0xFFFFFFFF  }
0x25: {  	[dreg:$0x0] =	wrdreg $0x60  }
0x26: {  	[dreg:$0x2] =	wrdreg s25  }
0x27: {  	[dreg:$0x3] =	wrdreg s2  }
0x28: {  	[dreg:$0x4] =	wrdreg $0x9  }
0x29: {  	_ =	task.clear_ibuf [dreg:s7], $0x5FFFF;
	_ =	strace $0x90000049  }
0x2a: {  	s29 =	simm.s32 $0x9;
	_ =	strace $0x8000004B  }
0x2b: {  	_ =	swait.ge [sflag:s29], $0x1  }
0x2c: {  	[sflag:s29] =	ssyncadd.s32 $0xFFFFFFFF  }
0x2d: {  	_ =	strace $0x9000004B  }
0x2e: {  	_ =	sfence  }
0x2f: {  	s30 =	sld [smem:$0x0];
	_ =	sdelay $0x2  }
0x30: {  	s31 =	sshll.u32 s1, $0xD;
	s1 =	sshrl.u32 s1, $0x2  }
0x31: {  	s3 =	sand.u32 $0x4000, s31;
	s1 =	sadd.s32 s1, s30  }
0x32: {  	s0 =	sor.u32 s3, s0;
	s1 =	sshll.u32 s1, $0x11  }
0x33: {  	s0 =	sor.u32 s1, s0  }
0x34: {  	s0 =	sadd.s32 $0x8F2B, s0  }
0x35: {  	[sflag:s0] =	ssyncadd.remote.s32 $0x1  }
0x36: {  	_ =	sfence.sel $0xFFFF  }
0x37: {  	[dreg:$0x0] =	wrdreg $0xFFFFFFFF;
	(pc) =	sbr.abs _section_cstart, $3  }
0x38: {  	[dreg:$0x1] =	wrdreg $0xFFFFFFFF  }
0x39: {  	_ =	task.clear_ibuf [dreg:s7], $0x2FFFF;
	_ =	strace $0x9FFFFFFF  }
0x3a: {  	(tm) =	ssettm $0x7FFFFFFF  }
0x3b: {  	_ =	shalt  }
tec
execute0_lowered:
.L_overlay_start_1:
0x0: {  	(tag) =	ssettag $0x1  }
0x1: {  	s5 =	stileid.u32;
	s4 =	rddreg [dreg:$0x0]  }
0x2: {  	s0 =	srdreg.scid;
	s2 =	rddreg [dreg:$0x1]  }
0x3: {  	_ =	strace $0x8000004A;
	s6 =	simm.s32 $0x1;
	s7 =	simm.s32 $0x2  }
0x4: {  	s16 =	simm.s32 $0x0;
	s9 =	simm.s32 $0xC0000;
	s10 =	simm.s32 $0x0  }
0x5: {  	s17 =	simm.s32 $0x0;
	s1 =	sshll.u32 s5, $0x1;
	s0 =	sshll.u32 s0, $0x5  }
0x6: {  	s19 =	simm.s32 $0x0;
	s18 =	simm.s32 $0x0;
	s0 =	sor.u32 s1, s0  }
0x7: {  	s11 =	simm.s32 $0x0;
	s12 =	simm.s32 $0x0;
	s3 =	sand.u32 $0x38, s0  }
0x8: {  	s15 =	simm.s32 $0x0;
	s25 =	simm.s32 $0x0;
	s0 =	ssub.s32 $0x600, s3  }
.Ltmp0:
0x9: {  	s4 =	sadd.s32 $0xE00, s4;
	s31 =	sand.u32 $0x38, s0;
	(pc) =	sbr.rel .LBB1_1-.Ltmp0, $4  }
0xa: {  	s5 =	sand.u32 $0x3, s5;
	s1 =	simm.s32 $0x1;
	p0 =	sne.s32 s31, $0x0  }
0xb: {  	[sflag:s6] =	ssyncpa.u1 $0x0;
	s0 =	sshrl.u32 s0, $0x6;
	s1 =	simm.s32 @!p0 $0x0  }
0xc: {  	[sflag:s7] =	ssyncpa.u1 $0x0;
	s14 =	smov.u32 s5;
	s0 =	sadd.s32 s1, s0  }
0xd: {  	s13 =	smov.u32 s3;
	s7 =	sshll.u32 s0, $0x1;
	s8 =	sshllo.u32 s0, $0x1  }
.LBB1_7:
0xe: {  	s0 =	sadd.s32 $0x100, s11  }
0xf: {  	s1 =	sadd.s32 $0x8, s12;
	s20 =	smov.u32 s12;
	p1 =	sgt.s32 s0, $0x1FF  }
0x10: {  	s20 =	smov.u32 @p1 s1  }
0x11: {  	s21 =	smov.u32 s13;
	s1 =	sadd.s32 $0x40, s13;
	p2 =	sgt.s32 s20, $0x7  }
0x12: {  	s21 =	smov.u32 @p2 s1  }
0x13: {  	s22 =	smov.u32 s14;
	s1 =	sadd.s32 $0x4, s14;
	p3 =	sgt.s32 s21, $0x5FF  }
0x14: {  	p0 =	slt.u32 s15, $0x2;
	s22 =	smov.u32 @p3 s1  }
0x15: {  	s16 =	smov.u32 s11;
	s0 =	simm.s32 @p1 $0x0;
	p1 =	sgt.s32 s22, $0x3  }
0x16: {  	s17 =	smov.u32 s12;
	s22 =	smov.u32 @p1 s5;
	p1 =	sne.s32 s15, s8  }
.Ltmp1:
0x17: {  	s19 =	smov.u32 s13;
	s18 =	smov.u32 s14;
	(pc) =	sbr.rel @!p1 .LBB1_8-.Ltmp1, $4  }
0x18: {  	s10 =	sadd.s32 $0x4000, s10;
	s11 =	smov.u32 s0;
	s1 =	simm.s32 @!p0 $0x2  }
0x19: {  	s20 =	simm.s32 @p2 $0x0;
	s21 =	smov.u32 @p3 s3;
	_ =	swait.ge @!p0 [sflag:s1], $0x4000  }
0x1a: {  	s12 =	smov.u32 s20;
	s13 =	smov.u32 s21;
	[sflag:s1] =	ssyncset.done @!p0 $0x0  }
0x1b: {  	s15 =	sadd.s32 $0x1, s15;
	[sflag:s1] =	ssyncadd.s32 @!p0 $0xFFFFC000;
	s14 =	smov.u32 s22  }
.LBB1_1:
0x1c: {  	p0 =	sge.u32 s15, s7  }
0x1d: {  	s31 =	sadd.s32 $0xFFFFFFFF, s15;
	s0 =	sxor.u32 @!p0 $0xFFFFFFFF, s15;
	s1 =	sand.u32 @!p0 $0x78, s11  }
0x1e: {  	s20 =	sshll.u32 @!p0 s12, $0x7;
	s21 =	sshll.u32 @!p0 s11, $0x3;
	s22 =	smul.u32 @!p0 $0xC0000, s14  }
0x1f: {  	s23 =	sshll.u32 @!p0 s13, $0x9;
	s0 =	sshll.u32 @!p0 s0, $0xE;
	s20 =	sand.u32 @!p0 $0x380, s20  }
0x20: {  	s21 =	sand.u32 @!p0 $0xC00, s21;
	s0 =	sand.u32 @!p0 $0x4000, s0;
	s1 =	sor.u32 @!p0 s1, s20  }
0x21: {  	s20 =	sadd.s32 @!p0 s4, s22;
	s1 =	sor.u32 @!p0 s21, s1;
	s21 =	sand.u32 @!p0 $0x7, s11  }
0x22: {  	s20 =	sadd.s32 @!p0 s23, s20;
	s1 =	sshrl.u32 @!p0 s1, $0x3;
	s21 =	sshll.u32 @!p0 s21, $0x12  }
0x23: {  	s1 =	sadd.s32 @!p0 s1, s20;
	s20 =	sor.u32 @!p0 $0x800, s21;
	s21 =	simm.s32 @!p0 $0x1000  }
0x24: {  	[tilespmem:s0], [sflag:$0x1] =	stream.strided.gather @!p0 [hbm4b:s1+s20], $0x4000, s21, s20, $0x38;
	[tilespmem:$0x10000] =	vst v63  }
0x25: {  	p0 =	sge.u32 s31, s7  }
.Ltmp2:
0x26: {  	_ = 	snop;
	(pc) =	sbr.rel @p0 .LBB1_7-.Ltmp2, $1  }
0x27: {  	_ =	sdelay $0x3  }
0x28: {  	s0 =	sshll.u32 s10, $0x2;
	_ =	swait.ge [sflag:s6], $0x4000;
	s1 =	sshll.u32 s15, $0xE  }
0x29: {  	p0 =	por $0x0, $0x0;
	s26 =	simm.s32 $0x0;
	s27 =	simm.s32 $0x0  }
0x2a: {  	s0 =	sand.u32 $0x10000, s0;
	[sflag:s6] =	ssyncset.done $0x0;
	s23 =	sand.u32 $0x4000, s1  }
0x2b: {  	s0 =	sshrl.u32 s0, $0x2;
	[sflag:s6] =	ssyncadd.s32 $0xFFFFC000;
	s20 =	sor.u32 $0x8000, s23  }
0x2c: {  	s21 =	sor.u32 $0x40, s0;
	s22 =	sor.u32 $0x8410, s0;
	s24 =	sadd.s32 $0x8400, s0  }
.LBB1_3:
0x2d: {  	v1 =	vld [tilespmem:s21+$0xFFFFFFD0]  }
0x2e: {  	v2 =	vld [tilespmem:s21+$0x430]  }
0x2f: {  	s0 =	sshll.u32 s27, $0xB;
	v4 =	vld [tilespmem:s21+$0xFFFFFFE0]  }
0x30: {  	v7 =	vld [tilespmem:s21+$0xFFFFFFF0];
	v0 =	vmov s0  }
0x31: {  	v8 =	vld [tilespmem:s21+$0x0]  }
0x32: {  	v9 =	vld [tilespmem:s21+$0x10];
	s0 =	sand.u32 $0x300, s25  }
0x33: {  	s1 =	sand.u32 $0x80, s25;
	v10 =	vld [tilespmem:s21+$0x20];
	s0 =	sadd.s32 s0, s23  }
0x34: {  	v11 =	vld [tilespmem:s21+$0x30];
	s0 =	sadd.s32 s1, s0;
	s1 =	simm.s32 $0x1;
	[tilespmem:s22+$0x60] =	vst v2  }
0x35: {  	s1 =	simm.s32 @!p0 $0x0;
	[tilespmem:s22+$0xFFFFFC00] =	vst v1;
	v3 =	vld.idx.msk [tilespmem:v0+s0+$0x400 ss:$0x1], $0xffff;
	s0 =	sshll.u32 s26, $0x2  }
0x36: {  	v6 =	vld [tilespmem:s21+$0x3D0];
	s1 =	sshll.u32 s1, $0x9;
	[tilespmem:s22+$0xFFFFFC10] =	vst v4;
	s0 =	sand.u32 $0xFFFFFC00, s0  }
0x37: {  	v5 =	vld [tilespmem:s21+$0x3E0];
	[tilespmem:s22+$0xFFFFFC20] =	vst v7;
	s0 =	sor.u32 s1, s0  }
0x38: {  	[tilespmem:s22+$0xFFFFFC30] =	vst v8;
	v4 =	vld [tilespmem:s21+$0x400];
	s0 =	sshrl.u32 s0, $0x2  }
0x39: {  	[tilespmem:s22+$0xFFFFFC40] =	vst v9;
	v1 =	vld [tilespmem:s21+$0x410];
	s28 =	sadd.s32 s0, s24  }
0x3a: {  	[tilespmem:s28+$0x0] =	vst v3;
	v3 =	vld [tilespmem:s21+$0x3F0]  }
0x3b: {  	s31 =	simm.s32 $0x100;
	[tilespmem:s22+$0xFFFFFC50] =	vst v10;
	v2 =	vld [tilespmem:s21+$0x420];
	s1 =	simm.s32 $0x80  }
0x3c: {  	s29 =	sadd.s32 $0x80, s21;
	s30 =	smov.u32 s22;
	v7 =	vld [tilespmem:s21+$0xFFFFFFC0];
	[tilespmem:s22+$0xFFFFFC60] =	vst v11;
	s0 =	sand.u32 $0x300, s1  }
.LBB1_4:
0x3d: {  	p1 =	sne.s32 s31, $0x380;
	v8 =	vld [tilespmem:s29+$0xFFFFFFD0];
	s1 =	sand.u32 $0x80, s1;
	s0 =	sadd.s32 s0, s23;
	[tilespmem:s30+$0x0] =	vst v6  }
0x3e: {  	s0 =	sadd.s32 s1, s0;
	v6 =	vld [tilespmem:s29+$0x430];
	[tilespmem:s30+$0x10] =	vst v5;
	s1 =	smov.u32 s31  }
0x3f: {  	v5 =	vld.idx.msk [tilespmem:v0+s0+$0x400 ss:$0x1], $0xffff;
	[tilespmem:s30+$0x20] =	vst v3  }
0x40: {  	v3 =	vld [tilespmem:s29+$0xFFFFFFE0];
	[tilespmem:s30+$0x30] =	vst v4  }
0x41: {  	v4 =	vld [tilespmem:s29+$0xFFFFFFF0];
	[tilespmem:s30+$0xFFFFFBF0] =	vst v7  }
0x42: {  	v7 =	vld [tilespmem:s29+$0x0];
	[tilespmem:s30+$0x40] =	vst v1  }
0x43: {  	v1 =	vld [tilespmem:s29+$0x10];
	[tilespmem:s30+$0x50] =	vst v2;
	s30 =	sadd.s32 $0x800, s30  }
0x44: {  	s28 =	sadd.s32 $0x800, s28;
	v2 =	vld [tilespmem:s29+$0x20];
	[tilespmem:s30+$0x60] =	vst v6  }
0x45: {  	v9 =	vld [tilespmem:s29+$0x30];
	[tilespmem:s28+$0x0] =	vst v5  }
0x46: {  	[tilespmem:s30+$0xFFFFFC00] =	vst v8;
	v6 =	vld [tilespmem:s29+$0x3D0]  }
0x47: {  	[tilespmem:s30+$0xFFFFFC10] =	vst v3;
	v5 =	vld [tilespmem:s29+$0x3E0]  }
.Ltmp3:
0x48: {  	[tilespmem:s30+$0xFFFFFC20] =	vst v4;
	v3 =	vld [tilespmem:s29+$0x3F0];
	(pc) =	sbr.rel @p1 .LBB1_4-.Ltmp3, $4  }
0x49: {  	[tilespmem:s30+$0xFFFFFC30] =	vst v7;
	v4 =	vld [tilespmem:s29+$0x400]  }
0x4a: {  	[tilespmem:s30+$0xFFFFFC40] =	vst v1;
	v1 =	vld [tilespmem:s29+$0x410]  }
0x4b: {  	[tilespmem:s30+$0xFFFFFC50] =	vst v2;
	v2 =	vld [tilespmem:s29+$0x420]  }
0x4c: {  	s31 =	sadd.s32 $0x80, s31;
	s0 =	sand.u32 $0x300, s1;
	v7 =	vld [tilespmem:s29+$0xFFFFFFC0];
	[tilespmem:s30+$0xFFFFFC60] =	vst v9;
	s29 =	sadd.s32 $0x80, s29  }
0x4d: {  	[tilespmem:s30+$0x0] =	vst v6  }
0x4e: {  	[tilespmem:s30+$0x10] =	vst v5  }
0x4f: {  	v49 =	vld [tilespmem:s29+$0x430];
	[tilespmem:s30+$0x20] =	vst v3  }
0x50: {  	v50 =	vld [tilespmem:s29+$0xFFFFFFD0];
	[tilespmem:s30+$0x30] =	vst v4  }
0x51: {  	v51 =	vld [tilespmem:s29+$0xFFFFFFE0];
	[tilespmem:s30+$0x40] =	vst v1  }
0x52: {  	v52 =	vld [tilespmem:s29+$0xFFFFFFF0];
	[tilespmem:s30+$0x50] =	vst v2  }
0x53: {  	v53 =	vld [tilespmem:s29+$0x0];
	[tilespmem:s30+$0xFFFFFBF0] =	vst v7;
	s30 =	sadd.s32 $0x800, s30  }
0x54: {  	v54 =	vld [tilespmem:s29+$0x10];
	[tilespmem:s30+$0x60] =	vst v49  }
0x55: {  	v55 =	vld [tilespmem:s29+$0x20];
	[tilespmem:s30+$0xFFFFFC00] =	vst v50  }
0x56: {  	v56 =	vld [tilespmem:s29+$0x30];
	[tilespmem:s30+$0xFFFFFC10] =	vst v51  }
0x57: {  	v57 =	vld [tilespmem:s29+$0x3D0];
	[tilespmem:s30+$0xFFFFFC20] =	vst v52  }
0x58: {  	v58 =	vld [tilespmem:s29+$0x3E0];
	[tilespmem:s30+$0xFFFFFC30] =	vst v53  }
0x59: {  	v59 =	vld [tilespmem:s29+$0x3F0];
	[tilespmem:s30+$0xFFFFFC40] =	vst v54  }
0x5a: {  	v60 =	vld [tilespmem:s29+$0x400];
	[tilespmem:s30+$0xFFFFFC50] =	vst v55  }
0x5b: {  	v61 =	vld [tilespmem:s29+$0xFFFFFFC0];
	[tilespmem:s30+$0xFFFFFC60] =	vst v56  }
0x5c: {  	s1 =	sand.u32 $0x80, s1;
	s0 =	sadd.s32 s0, s23;
	v62 =	vld [tilespmem:s29+$0x410];
	[tilespmem:s30+$0x0] =	vst v57  }
0x5d: {  	v63 =	vld [tilespmem:s29+$0x420];
	s27 =	sadd.s32 $0x1, s27;
	s0 =	sadd.s32 s1, s0;
	[tilespmem:s30+$0x10] =	vst v58  }
0x5e: {  	p1 =	sne.s32 s27, $0x8;
	v0 =	vld.idx.msk [tilespmem:v0+s0+$0x400 ss:$0x1], $0xffff;
	[tilespmem:s30+$0x20] =	vst v59  }
.Ltmp4:
0x5f: {  	[tilespmem:s30+$0x30] =	vst v60;
	(pc) =	sbr.rel @p1 .LBB1_3-.Ltmp4, $4  }
0x60: {  	[tilespmem:s30+$0xFFFFFBF0] =	vst v61  }
0x61: {  	[tilespmem:s30+$0x40] =	vst v62  }
0x62: {  	s31 =	sadd.s32 $0x800, s28;
	s21 =	sadd.s32 $0x800, s21;
	[tilespmem:s30+$0x50] =	vst v63  }
0x63: {  	s26 =	sadd.s32 $0x80, s26;
	p0 =	por !p0, !p0;
	s22 =	sadd.s32 $0x80, s22;
	[tilespmem:s31+$0x0] =	vst v0  }
0x64: {  	s0 =	sshll.u32 s19, $0x9;
	s1 =	sshll.u32 s16, $0x3  }
0x65: {  	s24 =	sshll.u32 s19, $0x7;
	s0 =	sand.u32 $0xFFFFF000, s0;
	s1 =	sand.u32 $0xFFFFFC00, s1  }
0x66: {  	s26 =	sand.u32 $0x200, s24;
	s0 =	sadd.s32 s0, s1  }
0x67: {  	s0 =	sor.u32 s26, s0  }
0x68: {  	s18 =	smul.u32 $0xC0000, s18;
	s0 =	sshrl.u32 s0, $0x9  }
0x69: {  	s27 =	smulhi.u32 $0x2AAAAB, s0  }
0x6a: {  	s21 =	sand.u32 $0x78, s16;
	s17 =	smul.u32 $0x18000, s17  }
0x6b: {  	s30 =	sand.u32 $0x7, s16;
	s19 =	sand.u32 $0x180, s24;
	s1 =	smul.u32 $0x600, s27  }
.Ltmp5:
0x6c: {  	s19 =	sor.u32 s19, s21;
	s28 =	sadd.s32 s2, s18;
	(pc) =	sbr.rel .LBB1_7-.Ltmp5, $4  }
0x6d: {  	s29 =	sshrl.u32 s19, $0x3;
	s0 =	ssub.s32 s0, s1;
	s1 =	sadd.s32 s17, s28  }
0x6e: {  	s16 =	sshll.u32 s30, $0x12;
	s0 =	sshll.u32 s0, $0x6;
	s1 =	sadd.s32 s29, s1  }
0x6f: {  	s31 =	sor.u32 $0x800, s16;
	s0 =	sadd.s32 s0, s1  }
0x70: {  	[hbm4b:s0+s31] =	stream.strided.scatter [tilespmem:s20], [sflag:$0x2], $0x4000, s9, s31, $0x38;
	[tilespmem:$0x10000] =	vst v63  }
.LBB1_8:
0x71: {  	_ =	sfence.sel $0x180000  }
0x72: {  	s0 =	simm.s32 $0x1;
	[bflag:$0x0] =	sbarrier.arrive $0xFFFF  }
0x73: {  	s30 =	simm.s32 $0x2;
	[sflag:s0] =	ssyncpa.u1 $0x1  }
0x74: {  	[sflag:s30] =	ssyncpa.u1 $0x1  }
0x75: {  	_ =	strace $0x9000004A  }
0x76: {  	s31 =	stileid.u32;
	[bflag:$0x2] =	sbarrier.arrive $0xFFFF  }
0x77: {  	p0 =	sne.s32 s31, $0x0;
	s0 =	rddreg [dreg:$0x2]  }
0x78: {  	s0 =	sadd.s32 @!p0 $0x100000, s0  }
0x79: {  	[sflag:s0] =	ssyncadd.tile.s32 @!p0 $0x1;
	_ =	shalt  }
.Lfunc_end1:
_tile_overlayer_lowered:
.L_overlay_start_2:
0x7a: {  	(tag) =	ssettag $0x2  }
0x7b: {  	s0 =	rddreg [dreg:$0x0];
	s2 =	stileid.u32  }
0x7c: {  	s1 =	rddreg [dreg:$0x1];
	p0 =	sne.s32 s2, $0x0  }
0x7d: {  	s3 =	rddreg [dreg:$0x2];
	[bflag:$0x3] =	sbarrier.arrive $0xFFFF;
	s2 =	simm.s32 @!p0 $0x1C01  }
0x7e: {  	[timem:s3], [sflag:s2] =	dma.local @!p0 [hbm:s0], s1  }
0x7f: {  	s0 =	simm.s32 @!p0 $0x1  }
0x80: {  	_ =	swait.ge @!p0 [sflag:s0], s1  }
0x81: {  	s1 =	ssub.s32 @!p0 $0x0, s1;
	[sflag:s0] =	ssyncset.done @!p0 $0x0  }
0x82: {  	[sflag:s0] =	ssyncadd.s32 @!p0 s1  }
0x83: {  	[bflag:$0x3] =	sbarrier.arrive $0xFFFF  }
0x84: {  	_ =	shalt  }

</sc_bundles>
